<compile_context>
chip_gen: v7x
topology: tpu7x:2x2x1
jax: 0.10.2.dev20260603
libtpu: 0.0.44.dev20260713+nightly
codegen_flags: <defaults>
</compile_context>

<pallas_src>
import functools

import numpy as np
import jax
import jax.numpy as jnp
from jax import lax
from jax.experimental import pallas as pl
from jax.experimental.pallas import tpu as pltpu
from jax.experimental.pallas import tpu_sc as plsc

LANES = 16



_PB = 14336


def _tc_contract_body(w_ref, x_ref, o_ref):
    o_ref[...] = lax.dot_general(
        w_ref[...],
        x_ref[...],
        dimension_numbers=(((1,), (1,)), ((), ())),
        preferred_element_type=jnp.float32,
        precision=lax.Precision.HIGHEST,
    )[0]


def _tc_contract(wt, xt):
    m, c = xt.shape
    return pl.pallas_call(
        _tc_contract_body,
        grid=(m // _PB,),
        in_specs=[
            pl.BlockSpec((1, c), lambda j: (0, 0)),
            pl.BlockSpec((_PB, c), lambda j: (j, 0)),
        ],
        out_specs=pl.BlockSpec((_PB,), lambda j: (j,)),
        out_shape=jax.ShapeDtypeStruct((m,), jnp.float32),
    )(wt, xt)



def _make_sc_stencil(batch_n, n, w, pad, chunk):
    L = chunk + 2 * pad
    slots = n // chunk
    npad = n + 2 * pad
    mesh = plsc.VectorSubcoreMesh(core_axis_name="c", subcore_axis_name="s")

    @functools.partial(
        pl.kernel,
        mesh=mesh,
        out_type=jax.ShapeDtypeStruct((batch_n * n,), jnp.float32),
        scratch_types=[
            pltpu.VMEM((L,), jnp.float32),
            pltpu.VMEM((L,), jnp.float32),
            pltpu.VMEM((L,), jnp.float32),
            pltpu.VMEM((L,), jnp.float32),
            pltpu.VMEM((chunk,), jnp.float32),
            pltpu.VMEM((LANES,), jnp.float32),
        ],
    )
    def sc_stencil(field_hbm, dis_hbm, bias_hbm, out_hbm,
                   f_v, d_v, g_v, t_v, o_v, b_v):
        wid = lax.axis_index("s") * 2 + lax.axis_index("c")
        bidx = wid // slots
        slot = wid % slots
        base = slot * chunk
        zero = jnp.zeros((LANES,), jnp.float32)

        @pl.when(slot == 0)
        def _():
            for i in range(pad // LANES):
                f_v[pl.ds(i * LANES, LANES)] = zero
            pltpu.sync_copy(field_hbm.at[pl.ds(bidx * n, L - pad)],
                            f_v.at[pl.ds(pad, L - pad)])

        @pl.when(slot == slots - 1)
        def _():
            for i in range(pad // LANES):
                f_v[pl.ds(L - pad + i * LANES, LANES)] = zero
            pltpu.sync_copy(field_hbm.at[pl.ds(bidx * n + base - pad, L - pad)],
                            f_v.at[pl.ds(0, L - pad)])

        @pl.when(jnp.logical_and(slot > 0, slot < slots - 1))
        def _():
            pltpu.sync_copy(field_hbm.at[pl.ds(bidx * n + base - pad, L)], f_v)

        pltpu.sync_copy(dis_hbm.at[pl.ds(base, L)], d_v)
        pltpu.sync_copy(bias_hbm, b_v)
        bias = b_v[...]

        def g_body(i, _):
            j = i * LANES
            g_v[pl.ds(j, LANES)] = f_v[pl.ds(j, LANES)] * d_v[pl.ds(j, LANES)]
            return _
        lax.fori_loop(0, L // LANES, g_body, 0)

        def t_body(i, _):
            j = 16 + i * LANES
            gm = g_v[pl.ds(j - 1, LANES)]
            gc = g_v[pl.ds(j, LANES)]
            gp = g_v[pl.ds(j + 1, LANES)]
            t_v[pl.ds(j, LANES)] = gm + gc + gp
            return _
        lax.fori_loop(0, (L - 32) // LANES, t_body, 0)

        def s_body(i, _):
            j = pad + i * LANES
            acc = (t_v[pl.ds(j - w, LANES)] + t_v[pl.ds(j, LANES)]
                   + t_v[pl.ds(j + w, LANES)] + g_v[pl.ds(j, LANES)])
            o_v[pl.ds(i * LANES, LANES)] = d_v[pl.ds(j, LANES)] * acc + bias
            return _
        lax.fori_loop(0, chunk // LANES, s_body, 0)

        pltpu.sync_copy(o_v, out_hbm.at[pl.ds(bidx * n + base, chunk)])

    return sc_stencil



@functools.lru_cache(maxsize=None)
def _dis_vector(h, w):
    n = h * w
    offs = np.array([-w - 1, -1, w - 1, -w, 0, w, -w + 1, 1, w + 1])
    d = np.arange(n)
    valid = (d[:, None] - offs[None, :] >= 0) & (d[:, None] - offs[None, :] < n)
    deg = 1 + valid.sum(axis=1)
    return (deg.astype(np.float32)) ** -0.5


def kernel(batch, labels, W, b):
    B, C, H, Wd = batch.shape
    n = H * Wd
    w = Wd

    xt = batch.transpose(0, 2, 3, 1).reshape(B * n, C)
    field = _tc_contract(W.reshape(1, C), xt)

    pad = 240
    chunk = n // 8
    dis = _dis_vector(H, Wd)
    dis_pad = jnp.asarray(np.pad(dis, pad))
    bias = jnp.broadcast_to(b.astype(jnp.float32), (LANES,))

    sc = _make_sc_stencil(B, n, w, pad, chunk)
    out = sc(field, dis_pad, bias)
    return out.reshape(B, H, Wd)

# --- scband reference (transcript-rebuilt; emitter-appended) ---
"""Pipeline reference for scband-graph-model-48060684043125 (READ-ONLY COPY).

The authoritative reference and input builder live on the scoring server;
editing this copy changes nothing except your own understanding.
"""

import jax, jax.numpy as jnp
import numpy as np

B, C, H, Wd = 4, 128, 224, 224


def _grid_edge_index(height, width):
    # Faithful replication of torch_geometric.utils.grid's grid_index
    w = width
    n = height * width
    kernel = np.array([-w - 1, -1, w - 1, -w, 0, w, -w + 1, 1, w + 1], dtype=np.int64)
    row = np.arange(n, dtype=np.int64).reshape(-1, 1).repeat(kernel.size, axis=1)
    col = row + kernel.reshape(1, -1)
    row = row.reshape(-1)
    col = col.reshape(-1)
    mask = (col >= 0) & (col < n)
    row, col = row[mask], col[mask]
    order = np.lexsort((col, row))  # coalesce (entries already unique)
    return jnp.asarray(np.stack([row[order], col[order]], axis=0))


def setup_inputs(seed: int = 0) -> dict:
    key = jax.random.key(seed)
    k1, k2, k3, _ = jax.random.split(key, 4)
    batch = jax.random.normal(k1, (B, C, H, Wd), dtype=jnp.float32)
    labels = jax.random.normal(k2, (B, H, Wd), dtype=jnp.float32)
    W = jax.random.normal(k3, (C, 1), dtype=jnp.float32) / np.sqrt(C)
    b = jnp.zeros((1,), dtype=jnp.float32)
    return {"batch": batch, "labels": labels, "W": W, "b": b}


def _gcn_conv(x, edge_index, W, b, n):
    # GCNConv: linear -> gcn_norm (add self loops; grid already has them, PyG adds a second set) -> scatter-add -> + bias
    xw = x @ W
    loops = jnp.arange(n, dtype=edge_index.dtype)
    src = jnp.concatenate([edge_index[0], loops])
    dst = jnp.concatenate([edge_index[1], loops])
    ew = jnp.ones(src.shape[0], dtype=xw.dtype)
    deg = jnp.zeros(n, dtype=xw.dtype).at[dst].add(ew)
    dis = jnp.where(deg > 0.0, deg ** -0.5, 0.0)
    norm = dis[src] * ew * dis[dst]
    out = jnp.zeros((n, xw.shape[1]), dtype=xw.dtype).at[dst].add(norm[:, None] * xw[src])
    return out + b


def reference(batch, labels, W, b):
    out_shape = labels.shape[1:]
    h, w = batch.shape[2], batch.shape[3]
    n = h * w
    edge_index = _grid_edge_index(h, w)
    outs = []
    for i in range(batch.shape[0]):
        x = jnp.moveaxis(batch[i], 0, 2).reshape(n, batch.shape[1])
        out = _gcn_conv(x, edge_index, W, b, n)
        outs.append(out.reshape(out_shape))
    return jnp.stack(outs)

if __name__ == "__main__":
    import jax
    _d = setup_inputs()
    print(jax.jit(kernel)(*tuple(_d.values())))

</pallas_src>

<mosaic_0001>
#map = affine_map<(d0, d1) -> (0)>
module attributes {stable_mosaic.version = 14 : i64} {
  func.func @sc_stencil(%arg0: i32, %arg1: i32, %arg2: memref<200704xf32, #tpu.memory_space<hbm>>, %arg3: memref<50656xf32, #tpu.memory_space<hbm>>, %arg4: memref<16xf32, #tpu.memory_space<hbm>>, %arg5: memref<200704xf32, #tpu.memory_space<hbm>>, %arg6: memref<6752xf32, #tpu.memory_space<vmem>>, %arg7: memref<6752xf32, #tpu.memory_space<vmem>>, %arg8: memref<6752xf32, #tpu.memory_space<vmem>>, %arg9: memref<6752xf32, #tpu.memory_space<vmem>>, %arg10: memref<6272xf32, #tpu.memory_space<vmem>>, %arg11: memref<16xf32, #tpu.memory_space<vmem>>) attributes {dimension_semantics = [#tpu.dimension_semantics<core_parallel>, #tpu.dimension_semantics<subcore_parallel>], iteration_bounds = array<i64: 2, 16>, scalar_prefetch = 0 : i64, scratch_operands = 6 : i64, tpu.core_type = #tpu.core_type<sc_vector_subcore>, window_params = [{transform_indices = #map}, {transform_indices = #map}, {transform_indices = #map}, {transform_indices = #map}]} {
    %mul3A = arith.constant 2 : i32
    %mul3A_0 = arith.muli %arg1, %mul3A : i32
    %add3A = arith.addi %mul3A_0, %arg0 : i32
    %jit3A = arith.constant 8 : i32
    %div3A = arith.divsi %add3A, %jit3A : i32
    %sign3A = arith.constant 0 : i32
    %sign3A_1 = arith.cmpi sgt, %add3A, %sign3A : i32
    %sign3A_2 = arith.extui %sign3A_1 : i1 to i32
    %sign3A_3 = arith.constant 0 : i32
    %sign3A_4 = arith.cmpi slt, %add3A, %sign3A_3 : i32
    %sign3A_5 = arith.extui %sign3A_4 : i1 to i32
    %sign3A_6 = arith.subi %sign3A_2, %sign3A_5 : i32
    %sign3A_7 = arith.constant 0 : i32
    %sign3A_8 = arith.cmpi sgt, %jit3A, %sign3A_7 : i32
    %sign3A_9 = arith.extui %sign3A_8 : i1 to i32
    %sign3A_10 = arith.constant 0 : i32
    %sign3A_11 = arith.cmpi slt, %jit3A, %sign3A_10 : i32
    %sign3A_12 = arith.extui %sign3A_11 : i1 to i32
    %sign3A_13 = arith.subi %sign3A_9, %sign3A_12 : i32
    %ne3A = arith.cmpi ne, %sign3A_6, %sign3A_13 : i32
    %rem3A = arith.remsi %add3A, %jit3A : i32
    %ne3A_14 = arith.constant 0 : i32
    %ne3A_15 = arith.cmpi ne, %rem3A, %ne3A_14 : i32
    %and3A = arith.andi %ne3A, %ne3A_15 : i1
    %sub3A = arith.constant 1 : i32
    %sub3A_16 = arith.subi %div3A, %sub3A : i32
    %select_n3A = arith.select %and3A, %sub3A_16, %div3A : i32
    %jit3A_17 = arith.constant 8 : i32
    %eq3A = arith.constant 0 : i32
    %eq3A_18 = arith.cmpi eq, %jit3A_17, %eq3A : i32
    %jit3A_19 = arith.constant 1 : i32
    %select_n3A_20 = arith.select %eq3A_18, %jit3A_19, %jit3A_17 : i32
    %rem3A_21 = arith.remsi %add3A, %select_n3A_20 : i32
    %ne3A_22 = arith.constant 0 : i32
    %ne3A_23 = arith.cmpi ne, %rem3A_21, %ne3A_22 : i32
    %lt3A = arith.constant 0 : i32
    %lt3A_24 = arith.cmpi slt, %rem3A_21, %lt3A : i32
    %lt3A_25 = arith.constant 0 : i32
    %lt3A_26 = arith.cmpi slt, %select_n3A_20, %lt3A_25 : i32
    %ne3A_27 = arith.xori %lt3A_24, %lt3A_26 : i1
    %and3A_28 = arith.andi %ne3A_27, %ne3A_23 : i1
    %add3A_29 = arith.addi %rem3A_21, %select_n3A_20 : i32
    %select_n3A_30 = arith.select %and3A_28, %add3A_29, %rem3A_21 : i32
    %mul3A_31 = arith.constant 6272 : i32
    %mul3A_32 = arith.muli %select_n3A_30, %mul3A_31 : i32
    %broadcast_in_dim3A = arith.constant 0.000000e+00 : f32
    %broadcast_in_dim3A_33 = vector.broadcast %broadcast_in_dim3A : f32 to vector<16xf32>
    %eq3A_34 = arith.constant 0 : i32
    %eq3A_35 = arith.cmpi eq, %select_n3A_30, %eq3A_34 : i32
    %convert_element_type3A = arith.extui %eq3A_35 : i1 to i32
    %cond3A = arith.constant 0 : i32
    %cond3A_36 = arith.cmpi ne, %convert_element_type3A, %cond3A : i32
    scf.if %cond3A_36 {
      %swap3A = arith.constant 0 : index
      %swap3A_71 = tpu.vector_load %arg6[%swap3A] {strides = array<i32>} : memref<6752xf32, #tpu.memory_space<vmem>>, vector<16xf32>,
      %swap3A_72 = vector.shape_cast %swap3A_71 : vector<16xf32> to vector<16xf32>
      %swap3A_73 = vector.shape_cast %broadcast_in_dim3A_33 : vector<16xf32> to vector<16xf32>
      tpu.vector_store %arg6[%swap3A], %swap3A_73 {strides = array<i32>} : memref<6752xf32, #tpu.memory_space<vmem>>, vector<16xf32>,
      %swap3A_74 = arith.constant 16 : index
      %swap3A_75 = tpu.vector_load %arg6[%swap3A_74] {strides = array<i32>} : memref<6752xf32, #tpu.memory_space<vmem>>, vector<16xf32>,
      %swap3A_76 = vector.shape_cast %swap3A_75 : vector<16xf32> to vector<16xf32>
      %swap3A_77 = vector.shape_cast %broadcast_in_dim3A_33 : vector<16xf32> to vector<16xf32>
      tpu.vector_store %arg6[%swap3A_74], %swap3A_77 {strides = array<i32>} : memref<6752xf32, #tpu.memory_space<vmem>>, vector<16xf32>,
      %swap3A_78 = arith.constant 32 : index
      %swap3A_79 = tpu.vector_load %arg6[%swap3A_78] {strides = array<i32>} : memref<6752xf32, #tpu.memory_space<vmem>>, vector<16xf32>,
      %swap3A_80 = vector.shape_cast %swap3A_79 : vector<16xf32> to vector<16xf32>
      %swap3A_81 = vector.shape_cast %broadcast_in_dim3A_33 : vector<16xf32> to vector<16xf32>
      tpu.vector_store %arg6[%swap3A_78], %swap3A_81 {strides = array<i32>} : memref<6752xf32, #tpu.memory_space<vmem>>, vector<16xf32>,
      %swap3A_82 = arith.constant 48 : index
      %swap3A_83 = tpu.vector_load %arg6[%swap3A_82] {strides = array<i32>} : memref<6752xf32, #tpu.memory_space<vmem>>, vector<16xf32>,
      %swap3A_84 = vector.shape_cast %swap3A_83 : vector<16xf32> to vector<16xf32>
      %swap3A_85 = vector.shape_cast %broadcast_in_dim3A_33 : vector<16xf32> to vector<16xf32>
      tpu.vector_store %arg6[%swap3A_82], %swap3A_85 {strides = array<i32>} : memref<6752xf32, #tpu.memory_space<vmem>>, vector<16xf32>,
      %swap3A_86 = arith.constant 64 : index
      %swap3A_87 = tpu.vector_load %arg6[%swap3A_86] {strides = array<i32>} : memref<6752xf32, #tpu.memory_space<vmem>>, vector<16xf32>,
      %swap3A_88 = vector.shape_cast %swap3A_87 : vector<16xf32> to vector<16xf32>
      %swap3A_89 = vector.shape_cast %broadcast_in_dim3A_33 : vector<16xf32> to vector<16xf32>
      tpu.vector_store %arg6[%swap3A_86], %swap3A_89 {strides = array<i32>} : memref<6752xf32, #tpu.memory_space<vmem>>, vector<16xf32>,
      %swap3A_90 = arith.constant 80 : index
      %swap3A_91 = tpu.vector_load %arg6[%swap3A_90] {strides = array<i32>} : memref<6752xf32, #tpu.memory_space<vmem>>, vector<16xf32>,
      %swap3A_92 = vector.shape_cast %swap3A_91 : vector<16xf32> to vector<16xf32>
      %swap3A_93 = vector.shape_cast %broadcast_in_dim3A_33 : vector<16xf32> to vector<16xf32>
      tpu.vector_store %arg6[%swap3A_90], %swap3A_93 {strides = array<i32>} : memref<6752xf32, #tpu.memory_space<vmem>>, vector<16xf32>,
      %swap3A_94 = arith.constant 96 : index
      %swap3A_95 = tpu.vector_load %arg6[%swap3A_94] {strides = array<i32>} : memref<6752xf32, #tpu.memory_space<vmem>>, vector<16xf32>,
      %swap3A_96 = vector.shape_cast %swap3A_95 : vector<16xf32> to vector<16xf32>
      %swap3A_97 = vector.shape_cast %broadcast_in_dim3A_33 : vector<16xf32> to vector<16xf32>
      tpu.vector_store %arg6[%swap3A_94], %swap3A_97 {strides = array<i32>} : memref<6752xf32, #tpu.memory_space<vmem>>, vector<16xf32>,
      %swap3A_98 = arith.constant 112 : index
      %swap3A_99 = tpu.vector_load %arg6[%swap3A_98] {strides = array<i32>} : memref<6752xf32, #tpu.memory_space<vmem>>, vector<16xf32>,
      %swap3A_100 = vector.shape_cast %swap3A_99 : vector<16xf32> to vector<16xf32>
      %swap3A_101 = vector.shape_cast %broadcast_in_dim3A_33 : vector<16xf32> to vector<16xf32>
      tpu.vector_store %arg6[%swap3A_98], %swap3A_101 {strides = array<i32>} : memref<6752xf32, #tpu.memory_space<vmem>>, vector<16xf32>,
      %swap3A_102 = arith.constant 128 : index
      %swap3A_103 = tpu.vector_load %arg6[%swap3A_102] {strides = array<i32>} : memref<6752xf32, #tpu.memory_space<vmem>>, vector<16xf32>,
      %swap3A_104 = vector.shape_cast %swap3A_103 : vector<16xf32> to vector<16xf32>
      %swap3A_105 = vector.shape_cast %broadcast_in_dim3A_33 : vector<16xf32> to vector<16xf32>
      tpu.vector_store %arg6[%swap3A_102], %swap3A_105 {strides = array<i32>} : memref<6752xf32, #tpu.memory_space<vmem>>, vector<16xf32>,
      %swap3A_106 = arith.constant 144 : index
      %swap3A_107 = tpu.vector_load %arg6[%swap3A_106] {strides = array<i32>} : memref<6752xf32, #tpu.memory_space<vmem>>, vector<16xf32>,
      %swap3A_108 = vector.shape_cast %swap3A_107 : vector<16xf32> to vector<16xf32>
      %swap3A_109 = vector.shape_cast %broadcast_in_dim3A_33 : vector<16xf32> to vector<16xf32>
      tpu.vector_store %arg6[%swap3A_106], %swap3A_109 {strides = array<i32>} : memref<6752xf32, #tpu.memory_space<vmem>>, vector<16xf32>,
      %swap3A_110 = arith.constant 160 : index
      %swap3A_111 = tpu.vector_load %arg6[%swap3A_110] {strides = array<i32>} : memref<6752xf32, #tpu.memory_space<vmem>>, vector<16xf32>,
      %swap3A_112 = vector.shape_cast %swap3A_111 : vector<16xf32> to vector<16xf32>
      %swap3A_113 = vector.shape_cast %broadcast_in_dim3A_33 : vector<16xf32> to vector<16xf32>
      tpu.vector_store %arg6[%swap3A_110], %swap3A_113 {strides = array<i32>} : memref<6752xf32, #tpu.memory_space<vmem>>, vector<16xf32>,
      %swap3A_114 = arith.constant 176 : index
      %swap3A_115 = tpu.vector_load %arg6[%swap3A_114] {strides = array<i32>} : memref<6752xf32, #tpu.memory_space<vmem>>, vector<16xf32>,
      %swap3A_116 = vector.shape_cast %swap3A_115 : vector<16xf32> to vector<16xf32>
      %swap3A_117 = vector.shape_cast %broadcast_in_dim3A_33 : vector<16xf32> to vector<16xf32>
      tpu.vector_store %arg6[%swap3A_114], %swap3A_117 {strides = array<i32>} : memref<6752xf32, #tpu.memory_space<vmem>>, vector<16xf32>,
      %swap3A_118 = arith.constant 192 : index
      %swap3A_119 = tpu.vector_load %arg6[%swap3A_118] {strides = array<i32>} : memref<6752xf32, #tpu.memory_space<vmem>>, vector<16xf32>,
      %swap3A_120 = vector.shape_cast %swap3A_119 : vector<16xf32> to vector<16xf32>
      %swap3A_121 = vector.shape_cast %broadcast_in_dim3A_33 : vector<16xf32> to vector<16xf32>
      tpu.vector_store %arg6[%swap3A_118], %swap3A_121 {strides = array<i32>} : memref<6752xf32, #tpu.memory_space<vmem>>, vector<16xf32>,
      %swap3A_122 = arith.constant 208 : index
      %swap3A_123 = tpu.vector_load %arg6[%swap3A_122] {strides = array<i32>} : memref<6752xf32, #tpu.memory_space<vmem>>, vector<16xf32>,
      %swap3A_124 = vector.shape_cast %swap3A_123 : vector<16xf32> to vector<16xf32>
      %swap3A_125 = vector.shape_cast %broadcast_in_dim3A_33 : vector<16xf32> to vector<16xf32>
      tpu.vector_store %arg6[%swap3A_122], %swap3A_125 {strides = array<i32>} : memref<6752xf32, #tpu.memory_space<vmem>>, vector<16xf32>,
      %swap3A_126 = arith.constant 224 : index
      %swap3A_127 = tpu.vector_load %arg6[%swap3A_126] {strides = array<i32>} : memref<6752xf32, #tpu.memory_space<vmem>>, vector<16xf32>,
      %swap3A_128 = vector.shape_cast %swap3A_127 : vector<16xf32> to vector<16xf32>
      %swap3A_129 = vector.shape_cast %broadcast_in_dim3A_33 : vector<16xf32> to vector<16xf32>
      tpu.vector_store %arg6[%swap3A_126], %swap3A_129 {strides = array<i32>} : memref<6752xf32, #tpu.memory_space<vmem>>, vector<16xf32>,
      %mul3A_130 = arith.constant 50176 : i32
      %mul3A_131 = arith.muli %select_n3A, %mul3A_130 : i32
      "tpu.region"() ({
        %run_scoped3A = tpu.sem_alloc : memref<!tpu.dma_semaphore, #tpu.memory_space<semaphore_mem>>
        %dma_start3A = arith.constant 240 : i32
        %dma_start3A_132 = tpu.memref_slice %arg6[%dma_start3A] : memref<6752xf32, #tpu.memory_space<vmem>> -> memref<6512xf32, #tpu.memory_space<vmem>>
        %dma_start3A_133 = tpu.memref_slice %arg2[%mul3A_131] : memref<200704xf32, #tpu.memory_space<hbm>> -> memref<6512xf32, #tpu.memory_space<hbm>>
        %dma_start3A_134 = arith.constant 240 : i32
        %dma_start3A_135 = tpu.memref_slice %arg6[%dma_start3A_134] : memref<6752xf32, #tpu.memory_space<vmem>> -> memref<6512xf32, #tpu.memory_space<vmem>>
        %dma_start3A_136 = tpu.memref_slice %arg2[%mul3A_131] : memref<200704xf32, #tpu.memory_space<hbm>> -> memref<6512xf32, #tpu.memory_space<hbm>>
        tpu.enqueue_dma source(%dma_start3A_136 : memref<6512xf32, #tpu.memory_space<hbm>>) target(%dma_start3A_135 : memref<6512xf32, #tpu.memory_space<vmem>>) target_semaphore(%run_scoped3A : memref<!tpu.dma_semaphore, #tpu.memory_space<semaphore_mem>>)
        %dma_wait3A = arith.constant 240 : i32
        %dma_wait3A_137 = tpu.memref_slice %arg6[%dma_wait3A] : memref<6752xf32, #tpu.memory_space<vmem>> -> memref<6512xf32, #tpu.memory_space<vmem>>
        %dma_wait3A_138 = tpu.memref_slice %arg2[%mul3A_131] : memref<200704xf32, #tpu.memory_space<hbm>> -> memref<6512xf32, #tpu.memory_space<hbm>>
        %dma_wait3A_139 = arith.constant 240 : i32
        %dma_wait3A_140 = tpu.memref_slice %arg6[%dma_wait3A_139] : memref<6752xf32, #tpu.memory_space<vmem>> -> memref<6512xf32, #tpu.memory_space<vmem>>
        %dma_wait3A_141 = tpu.memref_slice %arg2[%mul3A_131] : memref<200704xf32, #tpu.memory_space<hbm>> -> memref<6512xf32, #tpu.memory_space<hbm>>
        tpu.wait_dma2 semaphore(%run_scoped3A : memref<!tpu.dma_semaphore, #tpu.memory_space<semaphore_mem>>) src(%dma_wait3A_141 : memref<6512xf32, #tpu.memory_space<hbm>>) dst(%dma_wait3A_140 : memref<6512xf32, #tpu.memory_space<vmem>>)
        tpu.yield
      }) : () -> ()
    } else {
    }
    %eq3A_37 = arith.constant 7 : i32
    %eq3A_38 = arith.cmpi eq, %select_n3A_30, %eq3A_37 : i32
    %convert_element_type3A_39 = arith.extui %eq3A_38 : i1 to i32
    %cond3A_40 = arith.constant 0 : i32
    %cond3A_41 = arith.cmpi ne, %convert_element_type3A_39, %cond3A_40 : i32
    scf.if %cond3A_41 {
      %swap3A = arith.constant 6512 : index
      %swap3A_71 = tpu.vector_load %arg6[%swap3A] {strides = array<i32>} : memref<6752xf32, #tpu.memory_space<vmem>>, vector<16xf32>,
      %swap3A_72 = vector.shape_cast %swap3A_71 : vector<16xf32> to vector<16xf32>
      %swap3A_73 = vector.shape_cast %broadcast_in_dim3A_33 : vector<16xf32> to vector<16xf32>
      tpu.vector_store %arg6[%swap3A], %swap3A_73 {strides = array<i32>} : memref<6752xf32, #tpu.memory_space<vmem>>, vector<16xf32>,
      %swap3A_74 = arith.constant 6528 : index
      %swap3A_75 = tpu.vector_load %arg6[%swap3A_74] {strides = array<i32>} : memref<6752xf32, #tpu.memory_space<vmem>>, vector<16xf32>,
      %swap3A_76 = vector.shape_cast %swap3A_75 : vector<16xf32> to vector<16xf32>
      %swap3A_77 = vector.shape_cast %broadcast_in_dim3A_33 : vector<16xf32> to vector<16xf32>
      tpu.vector_store %arg6[%swap3A_74], %swap3A_77 {strides = array<i32>} : memref<6752xf32, #tpu.memory_space<vmem>>, vector<16xf32>,
      %swap3A_78 = arith.constant 6544 : index
      %swap3A_79 = tpu.vector_load %arg6[%swap3A_78] {strides = array<i32>} : memref<6752xf32, #tpu.memory_space<vmem>>, vector<16xf32>,
      %swap3A_80 = vector.shape_cast %swap3A_79 : vector<16xf32> to vector<16xf32>
      %swap3A_81 = vector.shape_cast %broadcast_in_dim3A_33 : vector<16xf32> to vector<16xf32>
      tpu.vector_store %arg6[%swap3A_78], %swap3A_81 {strides = array<i32>} : memref<6752xf32, #tpu.memory_space<vmem>>, vector<16xf32>,
      %swap3A_82 = arith.constant 6560 : index
      %swap3A_83 = tpu.vector_load %arg6[%swap3A_82] {strides = array<i32>} : memref<6752xf32, #tpu.memory_space<vmem>>, vector<16xf32>,
      %swap3A_84 = vector.shape_cast %swap3A_83 : vector<16xf32> to vector<16xf32>
      %swap3A_85 = vector.shape_cast %broadcast_in_dim3A_33 : vector<16xf32> to vector<16xf32>
      tpu.vector_store %arg6[%swap3A_82], %swap3A_85 {strides = array<i32>} : memref<6752xf32, #tpu.memory_space<vmem>>, vector<16xf32>,
      %swap3A_86 = arith.constant 6576 : index
      %swap3A_87 = tpu.vector_load %arg6[%swap3A_86] {strides = array<i32>} : memref<6752xf32, #tpu.memory_space<vmem>>, vector<16xf32>,
      %swap3A_88 = vector.shape_cast %swap3A_87 : vector<16xf32> to vector<16xf32>
      %swap3A_89 = vector.shape_cast %broadcast_in_dim3A_33 : vector<16xf32> to vector<16xf32>
      tpu.vector_store %arg6[%swap3A_86], %swap3A_89 {strides = array<i32>} : memref<6752xf32, #tpu.memory_space<vmem>>, vector<16xf32>,
      %swap3A_90 = arith.constant 6592 : index
      %swap3A_91 = tpu.vector_load %arg6[%swap3A_90] {strides = array<i32>} : memref<6752xf32, #tpu.memory_space<vmem>>, vector<16xf32>,
      %swap3A_92 = vector.shape_cast %swap3A_91 : vector<16xf32> to vector<16xf32>
      %swap3A_93 = vector.shape_cast %broadcast_in_dim3A_33 : vector<16xf32> to vector<16xf32>
      tpu.vector_store %arg6[%swap3A_90], %swap3A_93 {strides = array<i32>} : memref<6752xf32, #tpu.memory_space<vmem>>, vector<16xf32>,
      %swap3A_94 = arith.constant 6608 : index
      %swap3A_95 = tpu.vector_load %arg6[%swap3A_94] {strides = array<i32>} : memref<6752xf32, #tpu.memory_space<vmem>>, vector<16xf32>,
      %swap3A_96 = vector.shape_cast %swap3A_95 : vector<16xf32> to vector<16xf32>
      %swap3A_97 = vector.shape_cast %broadcast_in_dim3A_33 : vector<16xf32> to vector<16xf32>
      tpu.vector_store %arg6[%swap3A_94], %swap3A_97 {strides = array<i32>} : memref<6752xf32, #tpu.memory_space<vmem>>, vector<16xf32>,
      %swap3A_98 = arith.constant 6624 : index
      %swap3A_99 = tpu.vector_load %arg6[%swap3A_98] {strides = array<i32>} : memref<6752xf32, #tpu.memory_space<vmem>>, vector<16xf32>,
      %swap3A_100 = vector.shape_cast %swap3A_99 : vector<16xf32> to vector<16xf32>
      %swap3A_101 = vector.shape_cast %broadcast_in_dim3A_33 : vector<16xf32> to vector<16xf32>
      tpu.vector_store %arg6[%swap3A_98], %swap3A_101 {strides = array<i32>} : memref<6752xf32, #tpu.memory_space<vmem>>, vector<16xf32>,
      %swap3A_102 = arith.constant 6640 : index
      %swap3A_103 = tpu.vector_load %arg6[%swap3A_102] {strides = array<i32>} : memref<6752xf32, #tpu.memory_space<vmem>>, vector<16xf32>,
      %swap3A_104 = vector.shape_cast %swap3A_103 : vector<16xf32> to vector<16xf32>
      %swap3A_105 = vector.shape_cast %broadcast_in_dim3A_33 : vector<16xf32> to vector<16xf32>
      tpu.vector_store %arg6[%swap3A_102], %swap3A_105 {strides = array<i32>} : memref<6752xf32, #tpu.memory_space<vmem>>, vector<16xf32>,
      %swap3A_106 = arith.constant 6656 : index
      %swap3A_107 = tpu.vector_load %arg6[%swap3A_106] {strides = array<i32>} : memref<6752xf32, #tpu.memory_space<vmem>>, vector<16xf32>,
      %swap3A_108 = vector.shape_cast %swap3A_107 : vector<16xf32> to vector<16xf32>
      %swap3A_109 = vector.shape_cast %broadcast_in_dim3A_33 : vector<16xf32> to vector<16xf32>
      tpu.vector_store %arg6[%swap3A_106], %swap3A_109 {strides = array<i32>} : memref<6752xf32, #tpu.memory_space<vmem>>, vector<16xf32>,
      %swap3A_110 = arith.constant 6672 : index
      %swap3A_111 = tpu.vector_load %arg6[%swap3A_110] {strides = array<i32>} : memref<6752xf32, #tpu.memory_space<vmem>>, vector<16xf32>,
      %swap3A_112 = vector.shape_cast %swap3A_111 : vector<16xf32> to vector<16xf32>
      %swap3A_113 = vector.shape_cast %broadcast_in_dim3A_33 : vector<16xf32> to vector<16xf32>
      tpu.vector_store %arg6[%swap3A_110], %swap3A_113 {strides = array<i32>} : memref<6752xf32, #tpu.memory_space<vmem>>, vector<16xf32>,
      %swap3A_114 = arith.constant 6688 : index
      %swap3A_115 = tpu.vector_load %arg6[%swap3A_114] {strides = array<i32>} : memref<6752xf32, #tpu.memory_space<vmem>>, vector<16xf32>,
      %swap3A_116 = vector.shape_cast %swap3A_115 : vector<16xf32> to vector<16xf32>
      %swap3A_117 = vector.shape_cast %broadcast_in_dim3A_33 : vector<16xf32> to vector<16xf32>
      tpu.vector_store %arg6[%swap3A_114], %swap3A_117 {strides = array<i32>} : memref<6752xf32, #tpu.memory_space<vmem>>, vector<16xf32>,
      %swap3A_118 = arith.constant 6704 : index
      %swap3A_119 = tpu.vector_load %arg6[%swap3A_118] {strides = array<i32>} : memref<6752xf32, #tpu.memory_space<vmem>>, vector<16xf32>,
      %swap3A_120 = vector.shape_cast %swap3A_119 : vector<16xf32> to vector<16xf32>
      %swap3A_121 = vector.shape_cast %broadcast_in_dim3A_33 : vector<16xf32> to vector<16xf32>
      tpu.vector_store %arg6[%swap3A_118], %swap3A_121 {strides = array<i32>} : memref<6752xf32, #tpu.memory_space<vmem>>, vector<16xf32>,
      %swap3A_122 = arith.constant 6720 : index
      %swap3A_123 = tpu.vector_load %arg6[%swap3A_122] {strides = array<i32>} : memref<6752xf32, #tpu.memory_space<vmem>>, vector<16xf32>,
      %swap3A_124 = vector.shape_cast %swap3A_123 : vector<16xf32> to vector<16xf32>
      %swap3A_125 = vector.shape_cast %broadcast_in_dim3A_33 : vector<16xf32> to vector<16xf32>
      tpu.vector_store %arg6[%swap3A_122], %swap3A_125 {strides = array<i32>} : memref<6752xf32, #tpu.memory_space<vmem>>, vector<16xf32>,
      %swap3A_126 = arith.constant 6736 : index
      %swap3A_127 = tpu.vector_load %arg6[%swap3A_126] {strides = array<i32>} : memref<6752xf32, #tpu.memory_space<vmem>>, vector<16xf32>,
      %swap3A_128 = vector.shape_cast %swap3A_127 : vector<16xf32> to vector<16xf32>
      %swap3A_129 = vector.shape_cast %broadcast_in_dim3A_33 : vector<16xf32> to vector<16xf32>
      tpu.vector_store %arg6[%swap3A_126], %swap3A_129 {strides = array<i32>} : memref<6752xf32, #tpu.memory_space<vmem>>, vector<16xf32>,
      %mul3A_130 = arith.constant 50176 : i32
      %mul3A_131 = arith.muli %select_n3A, %mul3A_130 : i32
      %add3A_132 = arith.addi %mul3A_131, %mul3A_32 : i32
      %sub3A_133 = arith.constant 240 : i32
      %sub3A_134 = arith.subi %add3A_132, %sub3A_133 : i32
      "tpu.region"() ({
        %run_scoped3A = tpu.sem_alloc : memref<!tpu.dma_semaphore, #tpu.memory_space<semaphore_mem>>
        %dma_start3A = arith.constant 0 : i32
        %dma_start3A_135 = tpu.memref_slice %arg6[%dma_start3A] : memref<6752xf32, #tpu.memory_space<vmem>> -> memref<6512xf32, #tpu.memory_space<vmem>>
        %dma_start3A_136 = tpu.memref_slice %arg2[%sub3A_134] : memref<200704xf32, #tpu.memory_space<hbm>> -> memref<6512xf32, #tpu.memory_space<hbm>>
        %dma_start3A_137 = arith.constant 0 : i32
        %dma_start3A_138 = tpu.memref_slice %arg6[%dma_start3A_137] : memref<6752xf32, #tpu.memory_space<vmem>> -> memref<6512xf32, #tpu.memory_space<vmem>>
        %dma_start3A_139 = tpu.memref_slice %arg2[%sub3A_134] : memref<200704xf32, #tpu.memory_space<hbm>> -> memref<6512xf32, #tpu.memory_space<hbm>>
        tpu.enqueue_dma source(%dma_start3A_139 : memref<6512xf32, #tpu.memory_space<hbm>>) target(%dma_start3A_138 : memref<6512xf32, #tpu.memory_space<vmem>>) target_semaphore(%run_scoped3A : memref<!tpu.dma_semaphore, #tpu.memory_space<semaphore_mem>>)
        %dma_wait3A = arith.constant 0 : i32
        %dma_wait3A_140 = tpu.memref_slice %arg6[%dma_wait3A] : memref<6752xf32, #tpu.memory_space<vmem>> -> memref<6512xf32, #tpu.memory_space<vmem>>
        %dma_wait3A_141 = tpu.memref_slice %arg2[%sub3A_134] : memref<200704xf32, #tpu.memory_space<hbm>> -> memref<6512xf32, #tpu.memory_space<hbm>>
        %dma_wait3A_142 = arith.constant 0 : i32
        %dma_wait3A_143 = tpu.memref_slice %arg6[%dma_wait3A_142] : memref<6752xf32, #tpu.memory_space<vmem>> -> memref<6512xf32, #tpu.memory_space<vmem>>
        %dma_wait3A_144 = tpu.memref_slice %arg2[%sub3A_134] : memref<200704xf32, #tpu.memory_space<hbm>> -> memref<6512xf32, #tpu.memory_space<hbm>>
        tpu.wait_dma2 semaphore(%run_scoped3A : memref<!tpu.dma_semaphore, #tpu.memory_space<semaphore_mem>>) src(%dma_wait3A_144 : memref<6512xf32, #tpu.memory_space<hbm>>) dst(%dma_wait3A_143 : memref<6512xf32, #tpu.memory_space<vmem>>)
        tpu.yield
      }) : () -> ()
    } else {
    }
    %gt3A = arith.constant 0 : i32
    %gt3A_42 = arith.cmpi sgt, %select_n3A_30, %gt3A : i32
    %lt3A_43 = arith.constant 7 : i32
    %lt3A_44 = arith.cmpi slt, %select_n3A_30, %lt3A_43 : i32
    %and3A_45 = arith.andi %gt3A_42, %lt3A_44 : i1
    %convert_element_type3A_46 = arith.extui %and3A_45 : i1 to i32
    %cond3A_47 = arith.constant 0 : i32
    %cond3A_48 = arith.cmpi ne, %convert_element_type3A_46, %cond3A_47 : i32
    scf.if %cond3A_48 {
      %mul3A_71 = arith.constant 50176 : i32
      %mul3A_72 = arith.muli %select_n3A, %mul3A_71 : i32
      %add3A_73 = arith.addi %mul3A_72, %mul3A_32 : i32
      %sub3A_74 = arith.constant 240 : i32
      %sub3A_75 = arith.subi %add3A_73, %sub3A_74 : i32
      "tpu.region"() ({
        %run_scoped3A = tpu.sem_alloc : memref<!tpu.dma_semaphore, #tpu.memory_space<semaphore_mem>>
        %dma_start3A = tpu.memref_slice %arg2[%sub3A_75] : memref<200704xf32, #tpu.memory_space<hbm>> -> memref<6752xf32, #tpu.memory_space<hbm>>
        %dma_start3A_76 = tpu.memref_slice %arg2[%sub3A_75] : memref<200704xf32, #tpu.memory_space<hbm>> -> memref<6752xf32, #tpu.memory_space<hbm>>
        tpu.enqueue_dma source(%dma_start3A_76 : memref<6752xf32, #tpu.memory_space<hbm>>) target(%arg6 : memref<6752xf32, #tpu.memory_space<vmem>>) target_semaphore(%run_scoped3A : memref<!tpu.dma_semaphore, #tpu.memory_space<semaphore_mem>>)
        %dma_wait3A = tpu.memref_slice %arg2[%sub3A_75] : memref<200704xf32, #tpu.memory_space<hbm>> -> memref<6752xf32, #tpu.memory_space<hbm>>
        %dma_wait3A_77 = tpu.memref_slice %arg2[%sub3A_75] : memref<200704xf32, #tpu.memory_space<hbm>> -> memref<6752xf32, #tpu.memory_space<hbm>>
        tpu.wait_dma2 semaphore(%run_scoped3A : memref<!tpu.dma_semaphore, #tpu.memory_space<semaphore_mem>>) src(%dma_wait3A_77 : memref<6752xf32, #tpu.memory_space<hbm>>) dst(%arg6 : memref<6752xf32, #tpu.memory_space<vmem>>)
        tpu.yield
      }) : () -> ()
    } else {
    }
    "tpu.region"() ({
      %run_scoped3A = tpu.sem_alloc : memref<!tpu.dma_semaphore, #tpu.memory_space<semaphore_mem>>
      %dma_start3A = tpu.memref_slice %arg3[%mul3A_32] : memref<50656xf32, #tpu.memory_space<hbm>> -> memref<6752xf32, #tpu.memory_space<hbm>>
      %dma_start3A_71 = tpu.memref_slice %arg3[%mul3A_32] : memref<50656xf32, #tpu.memory_space<hbm>> -> memref<6752xf32, #tpu.memory_space<hbm>>
      tpu.enqueue_dma source(%dma_start3A_71 : memref<6752xf32, #tpu.memory_space<hbm>>) target(%arg7 : memref<6752xf32, #tpu.memory_space<vmem>>) target_semaphore(%run_scoped3A : memref<!tpu.dma_semaphore, #tpu.memory_space<semaphore_mem>>)
      %dma_wait3A = tpu.memref_slice %arg3[%mul3A_32] : memref<50656xf32, #tpu.memory_space<hbm>> -> memref<6752xf32, #tpu.memory_space<hbm>>
      %dma_wait3A_72 = tpu.memref_slice %arg3[%mul3A_32] : memref<50656xf32, #tpu.memory_space<hbm>> -> memref<6752xf32, #tpu.memory_space<hbm>>
      tpu.wait_dma2 semaphore(%run_scoped3A : memref<!tpu.dma_semaphore, #tpu.memory_space<semaphore_mem>>) src(%dma_wait3A_72 : memref<6752xf32, #tpu.memory_space<hbm>>) dst(%arg7 : memref<6752xf32, #tpu.memory_space<vmem>>)
      tpu.yield
    }) : () -> ()
    "tpu.region"() ({
      %run_scoped3A = tpu.sem_alloc : memref<!tpu.dma_semaphore, #tpu.memory_space<semaphore_mem>>
      tpu.enqueue_dma source(%arg4 : memref<16xf32, #tpu.memory_space<hbm>>) target(%arg11 : memref<16xf32, #tpu.memory_space<vmem>>) target_semaphore(%run_scoped3A : memref<!tpu.dma_semaphore, #tpu.memory_space<semaphore_mem>>)
      tpu.wait_dma2 semaphore(%run_scoped3A : memref<!tpu.dma_semaphore, #tpu.memory_space<semaphore_mem>>) src(%arg4 : memref<16xf32, #tpu.memory_space<hbm>>) dst(%arg11 : memref<16xf32, #tpu.memory_space<vmem>>)
      tpu.yield
    }) : () -> ()
    %get3A = arith.constant 0 : index
    %get3A_49 = tpu.vector_load %arg11[%get3A] {strides = array<i32>} : memref<16xf32, #tpu.memory_space<vmem>>, vector<16xf32>,
    %get3A_50 = vector.shape_cast %get3A_49 : vector<16xf32> to vector<16xf32>
    %scan3A = arith.constant 0 : i32
    %scan3A_51 = arith.constant 0 : i32
    %scan3A_52 = arith.constant 422 : i32
    %scan3A_53 = arith.addi %scan3A_51, %scan3A_52 : i32
    %scan3A_54 = arith.constant 1 : i32
    scf.for %scan3A_71 = %scan3A_51 to %scan3A_53 step %scan3A_54  : i32 {
      %mul3A_72 = arith.constant 16 : i32
      %mul3A_73 = arith.muli %scan3A_71, %mul3A_72 : i32
      %get3A_74 = arith.index_cast %mul3A_73 : i32 to index
      %get3A_75 = tpu.vector_load %arg6[%get3A_74] {strides = array<i32>} : memref<6752xf32, #tpu.memory_space<vmem>>, vector<16xf32>,
      %get3A_76 = vector.shape_cast %get3A_75 : vector<16xf32> to vector<16xf32>
      %get3A_77 = arith.index_cast %mul3A_73 : i32 to index
      %get3A_78 = tpu.vector_load %arg7[%get3A_77] {strides = array<i32>} : memref<6752xf32, #tpu.memory_space<vmem>>, vector<16xf32>,
      %get3A_79 = vector.shape_cast %get3A_78 : vector<16xf32> to vector<16xf32>
      %mul3A_80 = arith.mulf %get3A_76, %get3A_79 : vector<16xf32>
      %swap3A = arith.index_cast %mul3A_73 : i32 to index
      %swap3A_81 = tpu.vector_load %arg8[%swap3A] {strides = array<i32>} : memref<6752xf32, #tpu.memory_space<vmem>>, vector<16xf32>,
      %swap3A_82 = vector.shape_cast %swap3A_81 : vector<16xf32> to vector<16xf32>
      %swap3A_83 = vector.shape_cast %mul3A_80 : vector<16xf32> to vector<16xf32>
      tpu.vector_store %arg8[%swap3A], %swap3A_83 {strides = array<i32>} : memref<6752xf32, #tpu.memory_space<vmem>>, vector<16xf32>,
    }
    %scan3A_55 = arith.constant 422 : i32
    %scan3A_56 = arith.constant 0 : i32
    %scan3A_57 = arith.constant 0 : i32
    %scan3A_58 = arith.constant 420 : i32
    %scan3A_59 = arith.addi %scan3A_57, %scan3A_58 : i32
    %scan3A_60 = arith.constant 1 : i32
    scf.for %scan3A_71 = %scan3A_57 to %scan3A_59 step %scan3A_60  : i32 {
      %mul3A_72 = arith.constant 16 : i32
      %mul3A_73 = arith.muli %scan3A_71, %mul3A_72 : i32
      %add3A_74 = arith.constant 16 : i32
      %add3A_75 = arith.addi %add3A_74, %mul3A_73 : i32
      %sub3A_76 = arith.constant 1 : i32
      %sub3A_77 = arith.subi %add3A_75, %sub3A_76 : i32
      %get3A_78 = arith.index_cast %sub3A_77 : i32 to index
      %get3A_79 = tpu.vector_load %arg8[%get3A_78] {strides = array<i32>} : memref<6752xf32, #tpu.memory_space<vmem>>, vector<16xf32>,
      %get3A_80 = vector.shape_cast %get3A_79 : vector<16xf32> to vector<16xf32>
      %get3A_81 = arith.index_cast %add3A_75 : i32 to index
      %get3A_82 = tpu.vector_load %arg8[%get3A_81] {strides = array<i32>} : memref<6752xf32, #tpu.memory_space<vmem>>, vector<16xf32>,
      %get3A_83 = vector.shape_cast %get3A_82 : vector<16xf32> to vector<16xf32>
      %add3A_84 = arith.constant 1 : i32
      %add3A_85 = arith.addi %add3A_75, %add3A_84 : i32
      %get3A_86 = arith.index_cast %add3A_85 : i32 to index
      %get3A_87 = tpu.vector_load %arg8[%get3A_86] {strides = array<i32>} : memref<6752xf32, #tpu.memory_space<vmem>>, vector<16xf32>,
      %get3A_88 = vector.shape_cast %get3A_87 : vector<16xf32> to vector<16xf32>
      %add3A_89 = arith.addf %get3A_80, %get3A_83 : vector<16xf32>
      %add3A_90 = arith.addf %add3A_89, %get3A_88 : vector<16xf32>
      %swap3A = arith.index_cast %add3A_75 : i32 to index
      %swap3A_91 = tpu.vector_load %arg9[%swap3A] {strides = array<i32>} : memref<6752xf32, #tpu.memory_space<vmem>>, vector<16xf32>,
      %swap3A_92 = vector.shape_cast %swap3A_91 : vector<16xf32> to vector<16xf32>
      %swap3A_93 = vector.shape_cast %add3A_90 : vector<16xf32> to vector<16xf32>
      tpu.vector_store %arg9[%swap3A], %swap3A_93 {strides = array<i32>} : memref<6752xf32, #tpu.memory_space<vmem>>, vector<16xf32>,
    }
    %scan3A_61 = arith.constant 420 : i32
    %scan3A_62 = arith.constant 0 : i32
    %scan3A_63 = arith.constant 0 : i32
    %scan3A_64 = arith.constant 392 : i32
    %scan3A_65 = arith.addi %scan3A_63, %scan3A_64 : i32
    %scan3A_66 = arith.constant 1 : i32
    scf.for %scan3A_71 = %scan3A_63 to %scan3A_65 step %scan3A_66  : i32 {
      %mul3A_72 = arith.constant 16 : i32
      %mul3A_73 = arith.muli %scan3A_71, %mul3A_72 : i32
      %add3A_74 = arith.constant 240 : i32
      %add3A_75 = arith.addi %add3A_74, %mul3A_73 : i32
      %sub3A_76 = arith.constant 224 : i32
      %sub3A_77 = arith.subi %add3A_75, %sub3A_76 : i32
      %get3A_78 = arith.index_cast %sub3A_77 : i32 to index
      %get3A_79 = tpu.vector_load %arg9[%get3A_78] {strides = array<i32>} : memref<6752xf32, #tpu.memory_space<vmem>>, vector<16xf32>,
      %get3A_80 = vector.shape_cast %get3A_79 : vector<16xf32> to vector<16xf32>
      %get3A_81 = arith.index_cast %add3A_75 : i32 to index
      %get3A_82 = tpu.vector_load %arg9[%get3A_81] {strides = array<i32>} : memref<6752xf32, #tpu.memory_space<vmem>>, vector<16xf32>,
      %get3A_83 = vector.shape_cast %get3A_82 : vector<16xf32> to vector<16xf32>
      %add3A_84 = arith.addf %get3A_80, %get3A_83 : vector<16xf32>
      %add3A_85 = arith.constant 224 : i32
      %add3A_86 = arith.addi %add3A_75, %add3A_85 : i32
      %get3A_87 = arith.index_cast %add3A_86 : i32 to index
      %get3A_88 = tpu.vector_load %arg9[%get3A_87] {strides = array<i32>} : memref<6752xf32, #tpu.memory_space<vmem>>, vector<16xf32>,
      %get3A_89 = vector.shape_cast %get3A_88 : vector<16xf32> to vector<16xf32>
      %add3A_90 = arith.addf %add3A_84, %get3A_89 : vector<16xf32>
      %get3A_91 = arith.index_cast %add3A_75 : i32 to index
      %get3A_92 = tpu.vector_load %arg8[%get3A_91] {strides = array<i32>} : memref<6752xf32, #tpu.memory_space<vmem>>, vector<16xf32>,
      %get3A_93 = vector.shape_cast %get3A_92 : vector<16xf32> to vector<16xf32>
      %add3A_94 = arith.addf %add3A_90, %get3A_93 : vector<16xf32>
      %get3A_95 = arith.index_cast %add3A_75 : i32 to index
      %get3A_96 = tpu.vector_load %arg7[%get3A_95] {strides = array<i32>} : memref<6752xf32, #tpu.memory_space<vmem>>, vector<16xf32>,
      %get3A_97 = vector.shape_cast %get3A_96 : vector<16xf32> to vector<16xf32>
      %mul3A_98 = arith.mulf %get3A_97, %add3A_94 : vector<16xf32>
      %add3A_99 = arith.addf %mul3A_98, %get3A_50 : vector<16xf32>
      %mul3A_100 = arith.constant 16 : i32
      %mul3A_101 = arith.muli %scan3A_71, %mul3A_100 : i32
      %swap3A = arith.index_cast %mul3A_101 : i32 to index
      %swap3A_102 = tpu.vector_load %arg10[%swap3A] {strides = array<i32>} : memref<6272xf32, #tpu.memory_space<vmem>>, vector<16xf32>,
      %swap3A_103 = vector.shape_cast %swap3A_102 : vector<16xf32> to vector<16xf32>
      %swap3A_104 = vector.shape_cast %add3A_99 : vector<16xf32> to vector<16xf32>
      tpu.vector_store %arg10[%swap3A], %swap3A_104 {strides = array<i32>} : memref<6272xf32, #tpu.memory_space<vmem>>, vector<16xf32>,
    }
    %scan3A_67 = arith.constant 392 : i32
    %mul3A_68 = arith.constant 50176 : i32
    %mul3A_69 = arith.muli %select_n3A, %mul3A_68 : i32
    %add3A_70 = arith.addi %mul3A_69, %mul3A_32 : i32
    "tpu.region"() ({
      %run_scoped3A = tpu.sem_alloc : memref<!tpu.dma_semaphore, #tpu.memory_space<semaphore_mem>>
      %dma_start3A = tpu.memref_slice %arg5[%add3A_70] : memref<200704xf32, #tpu.memory_space<hbm>> -> memref<6272xf32, #tpu.memory_space<hbm>>
      %dma_start3A_71 = tpu.memref_slice %arg5[%add3A_70] : memref<200704xf32, #tpu.memory_space<hbm>> -> memref<6272xf32, #tpu.memory_space<hbm>>
      tpu.enqueue_dma source(%arg10 : memref<6272xf32, #tpu.memory_space<vmem>>) target(%dma_start3A_71 : memref<6272xf32, #tpu.memory_space<hbm>>) target_semaphore(%run_scoped3A : memref<!tpu.dma_semaphore, #tpu.memory_space<semaphore_mem>>)
      %dma_wait3A = tpu.memref_slice %arg5[%add3A_70] : memref<200704xf32, #tpu.memory_space<hbm>> -> memref<6272xf32, #tpu.memory_space<hbm>>
      %dma_wait3A_72 = tpu.memref_slice %arg5[%add3A_70] : memref<200704xf32, #tpu.memory_space<hbm>> -> memref<6272xf32, #tpu.memory_space<hbm>>
      tpu.wait_dma2 semaphore(%run_scoped3A : memref<!tpu.dma_semaphore, #tpu.memory_space<semaphore_mem>>) src(%arg10 : memref<6272xf32, #tpu.memory_space<vmem>>) dst(%dma_wait3A_72 : memref<6272xf32, #tpu.memory_space<hbm>>)
      tpu.yield
    }) : () -> ()
    return
  }
}

module attributes {stable_mosaic.version = 14 : i64} {
  func.func @_tc_contract_body(%arg0: i32, %arg1: memref<1x128xf32, #tpu.memory_space<vmem>>, %arg2: memref<14336x128xf32, #tpu.memory_space<vmem>>, %arg3: memref<14336xf32, #tpu.memory_space<vmem>>) attributes {dimension_semantics = [#tpu.dimension_semantics<arbitrary>], iteration_bounds = array<i64: 14>, scalar_prefetch = 0 : i64, scratch_operands = 0 : i64, tpu.core_type = #tpu.core_type<tc>, window_params = [{pipeline_mode = #tpu.pipeline_mode<synchronous>, transform_indices = @transform_0, window_bounds = array<i64: 1, 128>}, {transform_indices = @transform_1, window_bounds = array<i64: 14336, 128>}, {transform_indices = @transform_2, window_bounds = array<i64: 14336>}]} {
    %get3A = arith.constant 0 : index
    %get3A_0 = arith.constant 0 : index
    %get3A_1 = vector.load %arg1[%get3A, %get3A_0] : memref<1x128xf32, #tpu.memory_space<vmem>>, vector<1x128xf32>
    %get3A_2 = arith.constant 0 : index
    %get3A_3 = arith.constant 0 : index
    %get3A_4 = vector.load %arg2[%get3A_2, %get3A_3] : memref<14336x128xf32, #tpu.memory_space<vmem>>, vector<14336x128xf32>
    %dot_general3A = arith.constant dense<0.000000e+00> : vector<1x14336xf32>
    %dot_general3A_5 = tpu.matmul %get3A_1, %get3A_4, %dot_general3A {dimension_numbers = #tpu.dot_dimension_numbers<[1], [1], [0], [0], [0, 0, 1, 0], [], []>, precision = #tpu.contract_precision<fp32>, transpose_lhs_hint = false} : vector<1x128xf32>, vector<14336x128xf32>, vector<1x14336xf32> -> vector<1x14336xf32>
    %squeeze3A = vector.shape_cast %dot_general3A_5 : vector<1x14336xf32> to vector<14336xf32>
    %swap3A = arith.constant 0 : index
    %swap3A_6 = vector.load %arg3[%swap3A] : memref<14336xf32, #tpu.memory_space<vmem>>, vector<14336xf32>
    tpu.vector_store %arg3[%swap3A], %squeeze3A {strides = array<i32>} : memref<14336xf32, #tpu.memory_space<vmem>>, vector<14336xf32>,
    return
  }
  func.func @transform_0(%arg0: i32) -> (i32, i32) {
    %c0_i32 = arith.constant 0 : i32
    %c0_i32_0 = arith.constant 0 : i32
    %c0_i32_1 = arith.constant 0 : i32
    return %c0_i32, %c0_i32_0 : i32, i32
  }
  func.func @transform_1(%arg0: i32) -> (i32, i32) {
    %c0_i32 = arith.constant 0 : i32
    %c0_i32_0 = arith.constant 0 : i32
    return %arg0, %c0_i32 : i32, i32
  }
  func.func @transform_2(%arg0: i32) -> i32 {
    %c0_i32 = arith.constant 0 : i32
    return %arg0 : i32
  }
}

</mosaic_0001>

<sc_bundles>
// kernel: kernel.4.cloned.1.call-start
scs
__scs_entry_jumppad:
0x0: {  	(pc) =	sbr.rel $0x88, $3  }
0x1: {  	(tag) =	ssettag $0x0;
	lr =	simm.s32 $0x1  }
0x2: {  	[smem:$0x3F9E] =	sst lr;
	_ =	strace $0xD0000000  }
0x3: {  	_ = 	snop  }
0x4: {  	_ = 	snop  }
0x5: {  	_ = 	snop  }
0x6: {  	_ = 	snop  }
0x7: {  	_ = 	snop  }
__scs_overlays_trampoline_lowered:
0x8: {  	[smem:$0x3FAD] =	sst s0  }
0x9: {  	[smem:$0x3FAE] =	sst s1  }
0xa: {  	[smem:$0x3FAF] =	sst s2  }
0xb: {  	[smem:$0x3FB0] =	sst s3  }
0xc: {  	[smem:$0x3FB1] =	sst s4  }
0xd: {  	[smem:$0x3FB2] =	sst s5  }
0xe: {  	[smem:$0x3FB3] =	sst s6  }
0xf: {  	[smem:$0x3FB4] =	sst s7  }
0x10: {  	[smem:$0x3FB5] =	sst s8  }
0x11: {  	[smem:$0x3FB6] =	sst s9;
	s0 =	simm.s32 @!p0 $0x0  }
0x12: {  	s1 =	sld [smem:$0x3F9C];
	s0 =	simm.s32 @p0 $0x1  }
0x13: {  	[smem:$0x3FB7] =	sst s0;
	s0 =	simm.s32 @!p1 $0x0  }
0x14: {  	s2 =	sld [smem:$0x3F9B];
	s0 =	simm.s32 @p1 $0x1  }
0x15: {  	[smem:$0x3FB8] =	sst s0;
	s0 =	simm.s32 @!p2 $0x0  }
0x16: {  	s3 =	sld [smem:$0x3FDB];
	s0 =	simm.s32 @p2 $0x1  }
0x17: {  	s4 =	simm.s32 $0x1BF5;
	[smem:$0x3FBA] =	sst s0  }
0x18: {  	s0 =	sld [smem:$0x3F9D];
	_ =	swait.ge [sflag:s4], $0x0  }
0x19: {  	s7 =	sld [smem:$0x3F9E]  }
0x1a: {  	s8 =	sadd.s32 $0xFFFFE003, lr  }
0x1b: {  	s9 =	sadd.s32 $0xFFFFFEF7, lr;
	s5 =	simm.s32 $0xFFFFFFFF;
	p2 =	slt.u32 s8, $0xFFFFF086  }
0x1c: {  	p1 =	slt.u32 s9, $0xF7A;
	s5 =	simm.s32 @!p2 $0x0  }
0x1d: {  	s5 =	simm.s32 @p1 $0x1;
	p0 =	seq.s32 s7, s2  }
0x1e: {  	s7 =	smul.u32 @!p0 $0xF7A, s2;
	p2 =	seq.s32 @!p0 s5, $0x0  }
0x1f: {  	s9 =	smul.u32 $0xF7A, s1;
	s8 =	simm.s32 @!p0 $0x1BF5;
	p2 =	por !p2, p0  }
0x20: {  	[sflag:s8] =	ssyncset.s32 @!p0 $0xFFFFF086;
	s6 =	sadd.s32 @!p0 s3, s7;
	s7 =	simm.s32 @!p0 $0x108  }
0x21: {  	s3 =	sadd.s32 s3, s9;
	s6 =	sadd.s32 @!p0 $0x88, s6;
	s7 =	simm.s32 @p2 $0x1082  }
0x22: {  	[simem:s7], [sflag:s8] =	dma.local @!p0 [hbm:s6], $0xF7A  }
0x23: {  	s9 =	sor.u32 $0xD0000000, s2;
	s6 =	simm.s32 $0x108;
	_ =	swait.ge @!p0 [sflag:s8], $0x0  }
0x24: {  	s3 =	sadd.s32 $0x88, s3;
	s6 =	simm.s32 @!p1 $0x1082;
	[sflag:s4] =	ssyncset.s32 $0xFFFFF086  }
0x25: {  	[simem:s6], [sflag:s4] =	dma.local [hbm:s3], $0xF7A  }
0x26: {  	[smem:$0x3F9E] =	sst s1;
	(tag) =	ssettag s2;
	_ =	strace s9  }
0x27: {  	s1 =	sld [smem:$0x3FAE]  }
0x28: {  	s2 =	sld [smem:$0x3FAF]  }
0x29: {  	s4 =	sld [smem:$0x3FB1]  }
0x2a: {  	p0 =	seq.s32 s5, $0x0;
	s5 =	sld [smem:$0x3FB2]  }
0x2b: {  	s6 =	sld [smem:$0x3FB3]  }
0x2c: {  	s7 =	sld [smem:$0x3FB4]  }
0x2d: {  	s3 =	simm.s32 $0x108;
	s8 =	sld [smem:$0x3FB5]  }
0x2e: {  	s3 =	simm.s32 @!p0 $0x1082;
	s9 =	sld [smem:$0x3FB6]  }
0x2f: {  	lr =	sadd.s32 s0, s3;
	s0 =	sld [smem:$0x3FAD]  }
0x30: {  	s3 =	sld [smem:$0x3FB0]  }
0x31: {  	[smem:$0x3FB9] =	sst s10  }
0x32: {  	s10 =	sld [smem:$0x3FB7];
	_ =	sdelay $0x3  }
0x33: {  	p0 =	seq.s32 s10, $0x1;
	s10 =	sld [smem:$0x3FB9];
	_ =	sdelay $0x3  }
0x34: {  	[smem:$0x3FB9] =	sst s10  }
0x35: {  	s10 =	sld [smem:$0x3FB8];
	_ =	sdelay $0x3  }
0x36: {  	p1 =	seq.s32 s10, $0x1;
	s10 =	sld [smem:$0x3FB9];
	_ =	sdelay $0x3  }
0x37: {  	[smem:$0x3FB9] =	sst s10  }
0x38: {  	s10 =	sld [smem:$0x3FBA]  }
0x39: {  	_ = 	snop;
	(pc) =	sbr.ind lr, $3  }
0x3a: {  	_ = 	snop  }
0x3b: {  	_ = 	snop  }
0x3c: {  	p2 =	seq.s32 s10, $0x1;
	s10 =	sld [smem:$0x3FB9]  }
0x3d: {  	_ =	shalt  }
0x3e: {  	_ =	shalt  }
0x3f: {  	_ =	shalt  }
0x40: {  	_ =	shalt  }
0x41: {  	_ =	shalt  }
0x42: {  	_ =	shalt  }
0x43: {  	_ =	shalt  }
0x44: {  	_ =	shalt  }
0x45: {  	_ =	shalt  }
0x46: {  	_ =	shalt  }
0x47: {  	_ =	shalt  }
0x48: {  	_ =	shalt  }
0x49: {  	_ =	shalt  }
0x4a: {  	_ =	shalt  }
0x4b: {  	_ =	shalt  }
0x4c: {  	_ =	shalt  }
0x4d: {  	_ =	shalt  }
0x4e: {  	_ =	shalt  }
0x4f: {  	_ =	shalt  }
0x50: {  	_ =	shalt  }
0x51: {  	_ =	shalt  }
0x52: {  	_ =	shalt  }
0x53: {  	_ =	shalt  }
0x54: {  	_ =	shalt  }
0x55: {  	_ =	shalt  }
0x56: {  	_ =	shalt  }
0x57: {  	_ =	shalt  }
0x58: {  	_ =	shalt  }
0x59: {  	_ =	shalt  }
0x5a: {  	_ =	shalt  }
0x5b: {  	_ =	shalt  }
0x5c: {  	_ =	shalt  }
0x5d: {  	_ =	shalt  }
0x5e: {  	_ =	shalt  }
0x5f: {  	_ =	shalt  }
0x60: {  	_ =	shalt  }
0x61: {  	_ =	shalt  }
0x62: {  	_ =	shalt  }
0x63: {  	_ =	shalt  }
0x64: {  	_ =	shalt  }
0x65: {  	_ =	shalt  }
0x66: {  	_ =	shalt  }
0x67: {  	_ =	shalt  }
0x68: {  	_ =	shalt  }
0x69: {  	_ =	shalt  }
0x6a: {  	_ =	shalt  }
0x6b: {  	_ =	shalt  }
0x6c: {  	_ =	shalt  }
0x6d: {  	_ =	shalt  }
0x6e: {  	_ =	shalt  }
0x6f: {  	_ =	shalt  }
0x70: {  	_ =	shalt  }
0x71: {  	_ =	shalt  }
0x72: {  	_ =	shalt  }
0x73: {  	_ =	shalt  }
0x74: {  	_ =	shalt  }
0x75: {  	_ =	shalt  }
0x76: {  	_ =	shalt  }
0x77: {  	_ =	shalt  }
0x78: {  	_ =	shalt  }
0x79: {  	_ =	shalt  }
0x7a: {  	_ =	shalt  }
0x7b: {  	_ =	shalt  }
0x7c: {  	_ =	shalt  }
0x7d: {  	_ =	shalt  }
0x7e: {  	_ =	shalt  }
0x7f: {  	_ =	shalt  }
0x80: {  	_ =	shalt  }
0x81: {  	_ =	shalt  }
0x82: {  	_ =	shalt  }
0x83: {  	_ =	shalt  }
0x84: {  	_ =	shalt  }
0x85: {  	_ =	shalt  }
0x86: {  	_ =	shalt  }
0x87: {  	_ =	shalt  }
.Lfunc_end0:
.L_simem_size_0:
called_computation_lowered:
.L_overlay_start_0:
0x88: {  	s2 =	sld [smem:$0x3FD9]  }
0x89: {  	s3 =	sld [smem:$0x3FFE];
	_ =	sdelay $0x1  }
0x8a: {  	s1 =	srdreg.scid  }
0x8b: {  	s0 =	sand.u32 $0x1, s1  }
0x8c: {  	s17 =	sshll.u32 s0, $0xA;
	s2 =	sadd.s32 s3, s2  }
0x8d: {  	s2 =	sadd.s32 s2, s17  }
0x8e: {  	[smem:$0x3FC5] =	sst s2  }
0x8f: {  	_ = 	snop  }
0x90: {  	s2 =	sld [smem:$0x3FD0];
	(tm) =	ssettm $0x1  }
0x91: {  	s18 =	sld [smem:$0x3FFB];
	_ =	sdelay $0x3  }
0x92: {  	_ =	strace s18  }
0x93: {  	s3 =	sld [smem:$0x3FFC];
	_ =	sdelay $0x3  }
0x94: {  	_ =	strace s3  }
0x95: {  	s3 =	sld [smem:$0x3FFD];
	_ =	sdelay $0x3  }
0x96: {  	_ =	strace s3  }
0x97: {  	_ =	strace $0x8FFFFFFF  }
0x98: {  	s19 =	sld [smem:$0x3FDB];
	_ =	sdelay $0x1  }
0x99: {  	s4 =	simm.s32 $_scs_section_size  }
0x9a: {  	s5 =	simm.s32 $_size__tile_overlayer_lowered;
	s6 =	simm.s32 $_tile_overlayer_lowered  }
0x9b: {  	s22 =	simm.s32 $0x1BFF;
	s21 =	sshll.u32 s6, $0x1;
	s3 =	sadd.s32 s4, s19  }
0x9c: {  	s7 =	simm.s32 $0x0;
	s20 =	sshll.u32 s5, $0x1;
	s5 =	sadd.s32 s21, s3  }
0x9d: {  	[timem:s7], [sflag:s22] =	dma.local [hbm:s5], s20  }
0x9e: {  	_ =	swait.ge [sflag:s22], s20  }
0x9f: {  	s4 =	ssub.s32 $0x0, s20;
	[sflag:s22] =	ssyncset.done $0x0  }
0xa0: {  	[sflag:s22] =	ssyncadd.s32 s4;
	_ =	sdelay $0x1  }
0xa1: {  	s23 =	simm.s32 $0x1B8B  }
0xa2: {  	_ =	swait.ge [sflag:s23], $0x1  }
0xa3: {  	[sflag:s23] =	ssyncset.done $0x0  }
0xa4: {  	s25 =	simm.s32 $0x1B8E;
	s24 =	sld [smem:$0x3FFE];
	[sflag:s23] =	ssyncadd.s32 $0xFFFFFFFF  }
0xa5: {  	s26 =	simm.s32 $execute0_lowered;
	[smem:$0x3FD2] =	sst s25  }
0xa6: {  	s5 =	sshll.u32 s26, $0x1;
	_ =	strace $0x80000046;
	[dreg:$0x1] =	wrdreg $0xFFFFFFFF  }
0xa7: {  	s28 =	simm.s32 $_size_execute0_lowered;
	s3 =	sadd.s32 s3, s5;
	[dreg:$0x0] =	wrdreg $0x0  }
0xa8: {  	s5 =	sshll.u32 s28, $0x1;
	[dreg:$0x2] =	wrdreg s3  }
0xa9: {  	[dreg:$0x3] =	wrdreg s5  }
0xaa: {  	[dreg:$0x4] =	wrdreg $0xC0  }
0xab: {  	_ =	task [dreg:s7], $0x5FFFF  }
0xac: {  	[dreg:$0x1] =	wrdreg $0xFFFFFFFF  }
0xad: {  	[dreg:$0x0] =	wrdreg $0x60  }
0xae: {  	[dreg:$0x2] =	wrdreg s2  }
0xaf: {  	[dreg:$0x3] =	wrdreg s24  }
0xb0: {  	[dreg:$0x4] =	wrdreg $0x9  }
0xb1: {  	_ =	task.clear_ibuf [dreg:s7], $0x5FFFF;
	_ =	strace $0x90000046  }
0xb2: {  	s29 =	simm.s32 $0x9;
	_ =	strace $0x80000048  }
0xb3: {  	_ =	swait.ge [sflag:s29], $0x1  }
0xb4: {  	[sflag:s29] =	ssyncadd.s32 $0xFFFFFFFF  }
0xb5: {  	_ =	strace $0x90000048  }
0xb6: {  	_ =	sfence  }
0xb7: {  	s30 =	sld [smem:$0x0];
	_ =	sdelay $0x2  }
0xb8: {  	s31 =	sshll.u32 s1, $0xD;
	s1 =	sshrl.u32 s1, $0x2  }
0xb9: {  	s3 =	sand.u32 $0x4000, s31;
	s1 =	sadd.s32 s1, s30  }
0xba: {  	s0 =	sor.u32 s3, s0;
	s1 =	sshll.u32 s1, $0x11  }
0xbb: {  	s0 =	sor.u32 s1, s0  }
0xbc: {  	s0 =	sadd.s32 $0x8F2B, s0  }
0xbd: {  	[sflag:s0] =	ssyncadd.remote.s32 $0x1  }
0xbe: {  	_ =	sfence.sel $0xFFFF  }
0xbf: {  	[dreg:$0x0] =	wrdreg $0xFFFFFFFF;
	(pc) =	sbr.abs _section_cstart, $3  }
0xc0: {  	[dreg:$0x1] =	wrdreg $0xFFFFFFFF  }
0xc1: {  	_ =	task.clear_ibuf [dreg:s7], $0x2FFFF;
	_ =	strace $0x9FFFFFFF  }
0xc2: {  	(tm) =	ssettm $0x7FFFFFFF  }
0xc3: {  	_ =	shalt  }
tec
execute0_lowered:
.L_overlay_start_1:
0x0: {  	(tag) =	ssettag $0x1  }
0x1: {  	s0 =	stileid.u32;
	s5 =	rddreg [dreg:$0x0]  }
0x2: {  	s1 =	srdreg.scid;
	s6 =	rddreg [dreg:$0x1];
	s12 =	simm.s32 $0x6A00  }
0x3: {  	s2 =	sshll.u32 s0, $0x1;
	s4 =	sand.u32 $0x1, s1;
	s8 =	sshrl.u32 s0, $0x2  }
0x4: {  	s1 =	rddreg [dreg:$0x2];
	s29 =	sand.u32 $0x6, s2;
	s9 =	smul.u32 $0xC400, s8  }
0x5: {  	s2 =	simm.s32 $0x0;
	s8 =	smul.u32 $0x1880, s8;
	s7 =	sor.u32 s4, s29  }
0x6: {  	s13 =	simm.s32 $0x0;
	[smem:$0x7FF] =	sst s2;
	s3 =	smul.u32 $0x1880, s7  }
0x7: {  	s4 =	ssub.s32 $0x2, s4;
	_ =	strace $0x80000047;
	p0 =	seq.s32 s7, $0x7  }
0x8: {  	s31 =	sshrl.u32 s4, $0x1;
	p2 =	sne.s32 @!p0 s7, $0x0;
	s10 =	sshrl.u32 s3, $0x3  }
0x9: {  	s9 =	sadd.s32 s9, s3;
	s3 =	sadd.s32 $0xC00, s6;
	p1 =	por !p2, p0  }
0xa: {  	p2 =	por p2, p0;
	s11 =	sshrl.u32 s9, $0x3;
	s30 =	sadd.s32 $0xFFFFFF10, s9  }
0xb: {  	s10 =	sadd.s32 s10, s6;
	s11 =	sadd.s32 s11, s6;
	s6 =	sshrl.u32 s30, $0x3  }
0xc: {  	s9 =	ssub.s32 s4, s31;
	s4 =	sadd.s32 s5, s6;
	s5 =	sadd.s32 s5, s8  }
0xd: {  	s6 =	sadd.s32 $0xE00, s10;
	s7 =	sadd.s32 $0x2800, s11;
	s8 =	smax.u32 s9, $0x1  }
0xe: {  	s9 =	simm.s32 $0x1A80;
	s10 =	simm.s32 $0x1;
	s11 =	simm.s32 $0x8280  }
.LBB2_1:
0xf: {  	v0 =	vimm.f32 @p0 $0.0e+00  }
0x10: {  	[tilespmem:$0x1970] =	vst @p0 v0  }
0x11: {  	[tilespmem:$0x1980] =	vst @p0 v0  }
0x12: {  	[tilespmem:$0x1990] =	vst @p0 v0  }
0x13: {  	[tilespmem:$0x19A0] =	vst @p0 v0  }
0x14: {  	[tilespmem:$0x19B0] =	vst @p0 v0  }
0x15: {  	[tilespmem:$0x19C0] =	vst @p0 v0  }
0x16: {  	[tilespmem:$0x19D0] =	vst @p0 v0  }
0x17: {  	[tilespmem:$0x19E0] =	vst @p0 v0  }
0x18: {  	[tilespmem:$0x19F0] =	vst @p0 v0  }
0x19: {  	[tilespmem:$0x1A00] =	vst @p0 v0  }
0x1a: {  	[tilespmem:$0x1A10] =	vst @p0 v0  }
0x1b: {  	[tilespmem:$0x1A20] =	vst @p0 v0  }
0x1c: {  	[tilespmem:$0x1A30] =	vst @p0 v0  }
0x1d: {  	[tilespmem:$0x1A40] =	vst @p0 v0  }
0x1e: {  	s14 =	simm.s32 @p0 $0x1;
	s15 =	simm.s32 @p0 $0x0;
	[tilespmem:$0x1A50] =	vst @p0 v0  }
0x1f: {  	[tilespmem:s15], [sflag:$0x1] =	stream.linear.gather @p0 [hbm4b:s4+s15], $0x1970, $0x38;
	[tilespmem:$0x8300] =	vst v63  }
0x20: {  	_ =	swait.ge @p0 [sflag:s14], $0x1970  }
0x21: {  	[sflag:s14] =	ssyncset.done @p0 $0x0  }
0x22: {  	s15 =	simm.s32 @!p1 $0x0;
	[sflag:s14] =	ssyncadd.s32 @p0 $0xFFFFE690;
	s14 =	simm.s32 @!p1 $0x1  }
0x23: {  	[tilespmem:s15], [sflag:$0x1] =	stream.linear.gather @!p1 [hbm4b:s4+s15], $0x1A60, $0x38;
	[tilespmem:$0x8300] =	vst v63  }
0x24: {  	_ =	swait.ge @!p1 [sflag:s14], $0x1A60  }
0x25: {  	[sflag:s14] =	ssyncset.done @!p1 $0x0  }
0x26: {  	v0 =	vimm.f32 @!p2 $0.0e+00;
	[sflag:s14] =	ssyncadd.s32 @!p1 $0xFFFFE5A0  }
0x27: {  	[tilespmem:$0x0] =	vst @!p2 v0  }
0x28: {  	[tilespmem:$0x10] =	vst @!p2 v0  }
0x29: {  	[tilespmem:$0x20] =	vst @!p2 v0  }
0x2a: {  	[tilespmem:$0x30] =	vst @!p2 v0  }
0x2b: {  	[tilespmem:$0x40] =	vst @!p2 v0  }
0x2c: {  	[tilespmem:$0x50] =	vst @!p2 v0  }
0x2d: {  	[tilespmem:$0x60] =	vst @!p2 v0  }
0x2e: {  	[tilespmem:$0x70] =	vst @!p2 v0  }
0x2f: {  	[tilespmem:$0x80] =	vst @!p2 v0  }
0x30: {  	[tilespmem:$0x90] =	vst @!p2 v0  }
0x31: {  	[tilespmem:$0xA0] =	vst @!p2 v0  }
0x32: {  	[tilespmem:$0xB0] =	vst @!p2 v0  }
0x33: {  	[tilespmem:$0xC0] =	vst @!p2 v0  }
0x34: {  	[tilespmem:$0xD0] =	vst @!p2 v0  }
0x35: {  	s16 =	simm.s32 @!p2 $0xF0;
	s15 =	simm.s32 @!p2 $0x0;
	s14 =	simm.s32 @!p2 $0x1;
	[tilespmem:$0xE0] =	vst @!p2 v0  }
0x36: {  	[tilespmem:s16], [sflag:$0x1] =	stream.linear.gather @!p2 [hbm4b:s5+s15], $0x1970, $0x38;
	[tilespmem:$0x8300] =	vst v63  }
0x37: {  	_ =	swait.ge @!p2 [sflag:s14], $0x1970  }
0x38: {  	[sflag:s14] =	ssyncset.done @!p2 $0x0  }
0x39: {  	[sflag:s14] =	ssyncadd.s32 @!p2 $0xFFFFE690  }
0x3a: {  	[tilespmem:s9], [sflag:$0x1] =	stream.linear.gather [hbm4b:s6+s2], $0x1A60, $0x38;
	[tilespmem:$0x8300] =	vst v63  }
0x3b: {  	_ =	swait.ge [sflag:s10], $0x1A60  }
0x3c: {  	[sflag:s10] =	ssyncset.done $0x0  }
0x3d: {  	[sflag:s10] =	ssyncadd.s32 $0xFFFFE5A0  }
0x3e: {  	[tilespmem:s11], [sflag:$0x1] =	stream.linear.gather [hbm4b:s3+s2], $0x80, $0x38;
	[tilespmem:$0x8300] =	vst v63  }
0x3f: {  	_ =	swait.ge [sflag:s10], $0x80  }
0x40: {  	[sflag:s10] =	ssyncset.done $0x0  }
0x41: {  	[sflag:s10] =	ssyncadd.s32 $0xFFFFFF80  }
0x42: {  	s14 =	simm.s32 $0x0;
	v0 =	vld [tilespmem:$0x8280]  }
0x43: {  	v1 =	vld [tilespmem:s14+$0x0]  }
0x44: {  	s15 =	simm.s32 $0x40;
	v2 =	vld [tilespmem:s14+$0x1A80]  }
.LBB2_2:
0x45: {  	_ = 	snop  }
0x46: {  	p3 =	sne.s32 s15, $0x6940  }
.Ltmp0:
0x47: {  	_ = 	snop;
	(pc) =	sbr.rel @p3 .LBB2_2-.Ltmp0, $4  }
0x48: {  	_ = 	snop  }
0x49: {  	s16 =	sshra.s32 s15, $0x2;
	v3 =	vmul.f32 v2, v1  }
0x4a: {  	v1 =	vld [tilespmem:s16+$0x0]  }
0x4b: {  	s15 =	sadd.s32 $0x40, s15;
	v2 =	vld [tilespmem:s16+$0x1A80];
	[tilespmem:s14+$0x3500] =	vst v3;
	s14 =	smov.u32 s16  }
0x4c: {  	_ =	sdelay $0x3  }
0x4d: {  	v1 =	vmul.f32 v2, v1;
	_ =	sdelay $0x1  }
0x4e: {  	[tilespmem:s14+$0x3500] =	vst v1;
	s14 =	simm.s32 $0x0  }
0x4f: {  	v1 =	vld [tilespmem:s14+$0x350F]  }
0x50: {  	v2 =	vld [tilespmem:s14+$0x3510];
	_ =	sdelay $0x1  }
0x51: {  	v3 =	vld [tilespmem:s14+$0x3511]  }
0x52: {  	s16 =	simm.s32 $0x40;
	s15 =	simm.s32 $0x0  }
.LBB2_4:
0x53: {  	s17 =	sshra.s32 s16, $0x2;
	p3 =	sne.s32 s16, $0x68C0  }
.Ltmp1:
0x54: {  	s16 =	sadd.s32 $0x40, s16;
	v4 =	vadd.f32 v2, v1;
	v1 =	vld [tilespmem:s17+$0x350F];
	(pc) =	sbr.rel @p3 .LBB2_4-.Ltmp1, $4  }
0x55: {  	v2 =	vld [tilespmem:s17+$0x3510]  }
0x56: {  	v4 =	vadd.f32 v3, v4  }
0x57: {  	v3 =	vld [tilespmem:s17+$0x3511]  }
0x58: {  	[tilespmem:s15+$0x4F90] =	vst v4;
	s15 =	smov.u32 s17  }
0x59: {  	_ = 	snop  }
0x5a: {  	v1 =	vadd.f32 v2, v1;
	_ =	sdelay $0x1  }
0x5b: {  	v1 =	vadd.f32 v3, v1;
	_ =	sdelay $0x1  }
0x5c: {  	[tilespmem:s15+$0x4F90] =	vst v1  }
0x5d: {  	v1 =	vld [tilespmem:s14+$0x4F90]  }
0x5e: {  	v3 =	vld [tilespmem:s14+$0x5070];
	_ =	sdelay $0x1  }
0x5f: {  	v5 =	vld [tilespmem:s14+$0x5150]  }
0x60: {  	v6 =	vld [tilespmem:s14+$0x35F0]  }
0x61: {  	s15 =	simm.s32 $0x10;
	v2 =	vld [tilespmem:s14+$0x1B70]  }
0x62: {  	v4 =	vld [tilespmem:s15+$0x5070];
	v3 =	vadd.f32 v3, v1  }
0x63: {  	v1 =	vld [tilespmem:s15+$0x4F90]  }
0x64: {  	v7 =	vadd.f32 v5, v3  }
0x65: {  	v5 =	vld [tilespmem:s15+$0x5150]  }
0x66: {  	s16 =	simm.s32 $0x80;
	v3 =	vld [tilespmem:s15+$0x1B70];
	v6 =	vadd.f32 v6, v7  }
.LBB2_6:
0x67: {  	s17 =	sshra.s32 s16, $0x2;
	v7 =	vld [tilespmem:s15+$0x35F0];
	p3 =	sne.s32 s16, $0x61C0  }
.Ltmp2:
0x68: {  	s16 =	sadd.s32 $0x40, s16;
	v8 =	vadd.f32 v4, v1;
	v1 =	vld [tilespmem:s17+$0x4F90];
	v9 =	vmul.f32 v6, v2;
	(pc) =	sbr.rel @p3 .LBB2_6-.Ltmp2, $4  }
0x69: {  	v4 =	vld [tilespmem:s17+$0x5070]  }
0x6a: {  	v6 =	vadd.f32 v5, v8;
	v8 =	vadd.f32 v9, v0  }
0x6b: {  	v5 =	vld [tilespmem:s17+$0x5150];
	v2 =	vmov v3  }
0x6c: {  	v3 =	vld [tilespmem:s17+$0x1B70];
	v6 =	vadd.f32 v7, v6;
	[tilespmem:s14+$0x6A00] =	vst v8;
	s14 =	smov.u32 s15;
	s15 =	smov.u32 s17  }
0x6d: {  	v7 =	vld [tilespmem:s15+$0x35F0]  }
0x6e: {  	v1 =	vadd.f32 v4, v1;
	_ =	sdelay $0x1  }
0x6f: {  	v1 =	vadd.f32 v5, v1;
	_ =	sdelay $0x1  }
0x70: {  	v1 =	vadd.f32 v7, v1  }
0x71: {  	v2 =	vmul.f32 v6, v2  }
0x72: {  	v1 =	vmul.f32 v1, v3  }
0x73: {  	v2 =	vadd.f32 v2, v0  }
0x74: {  	s13 =	sadd.s32 $0x1, s13;
	v63 =	vadd.f32 v1, v0  }
0x75: {  	p3 =	sne.s32 s13, s8;
	[tilespmem:s14+$0x6A00] =	vst v2  }
.Ltmp3:
0x76: {  	[tilespmem:s15+$0x6A00] =	vst v63;
	(pc) =	sbr.rel @p3 .LBB2_1-.Ltmp3, $4  }
0x77: {  	[hbm4b:s7+s2] =	stream.linear.scatter [tilespmem:s12], [sflag:$0x1], $0x1880, $0x38;
	[tilespmem:$0x8300] =	vst v63  }
0x78: {  	_ =	swait.ge [sflag:s10], $0x1880  }
0x79: {  	[sflag:s10] =	ssyncset.done $0x0  }
0x7a: {  	[sflag:s10] =	ssyncadd.s32 $0xFFFFE780  }
0x7b: {  	_ =	sfence.sel $0x180000  }
0x7c: {  	[bflag:$0x0] =	sbarrier.arrive $0xFFFF  }
0x7d: {  	p0 =	sne.s32 s0, $0x0;
	_ =	strace $0x90000047  }
0x7e: {  	s0 =	sadd.s32 @!p0 $0x100000, s1;
	[bflag:$0x2] =	sbarrier.arrive $0xFFFF  }
0x7f: {  	[sflag:s0] =	ssyncadd.tile.s32 @!p0 $0x1;
	_ =	shalt  }
.Lfunc_end2:
_tile_overlayer_lowered:
.L_overlay_start_2:
0x80: {  	(tag) =	ssettag $0x2  }
0x81: {  	s0 =	rddreg [dreg:$0x0];
	s2 =	stileid.u32  }
0x82: {  	s1 =	rddreg [dreg:$0x1];
	p0 =	sne.s32 s2, $0x0  }
0x83: {  	s3 =	rddreg [dreg:$0x2];
	[bflag:$0x3] =	sbarrier.arrive $0xFFFF;
	s2 =	simm.s32 @!p0 $0x1C01  }
0x84: {  	[timem:s3], [sflag:s2] =	dma.local @!p0 [hbm:s0], s1  }
0x85: {  	s0 =	simm.s32 @!p0 $0x1  }
0x86: {  	_ =	swait.ge @!p0 [sflag:s0], s1  }
0x87: {  	s1 =	ssub.s32 @!p0 $0x0, s1;
	[sflag:s0] =	ssyncset.done @!p0 $0x0  }
0x88: {  	[sflag:s0] =	ssyncadd.s32 @!p0 s1  }
0x89: {  	[bflag:$0x3] =	sbarrier.arrive $0xFFFF  }
0x8a: {  	_ =	shalt  }

</sc_bundles>
